<compile_context>
chip_gen: v7x
topology: tpu7x:2x2x1
jax: 0.10.2.dev20260603
libtpu: 0.0.44.dev20260713+nightly
codegen_flags: <defaults>
</compile_context>

<pallas_src>
import jax
import jax.numpy as jnp
from jax import lax
from jax.experimental import pallas as pl
from jax.experimental.pallas import tpu as pltpu
from jax.experimental.pallas import tpu_sc as plsc
import functools

_B = 16
_N = 8192
_S = 2048
_L = 16
_CHUNKS = _N // _L


def _fps_body(pts_hbm, idx_hbm, xyz_hbm, x_ref, y_ref, z_ref, dist_ref,
              idx_ref, xyz_ref):
    c = lax.axis_index("c")
    s = lax.axis_index("s")

    @pl.when(c == 0)
    def _():
        b = s
        base = b * 3 * _N
        pltpu.sync_copy(pts_hbm.at[pl.ds(base, _N)], x_ref)
        pltpu.sync_copy(pts_hbm.at[pl.ds(base + _N, _N)], y_ref)
        pltpu.sync_copy(pts_hbm.at[pl.ds(base + 2 * _N, _N)], z_ref)

        lanes = lax.iota(jnp.int32, _L)
        lane0 = lanes == 0
        big = jnp.full((_L,), 1e10, jnp.float32)

        @plsc.parallel_loop(0, _CHUNKS, unroll=8)
        def _init(j):
            dist_ref[pl.ds(j * _L, _L)] = big

        def step(t, fv):
            cx = plsc.load_gather(x_ref, [fv])
            cy = plsc.load_gather(y_ref, [fv])
            cz = plsc.load_gather(z_ref, [fv])
            tv = lax.broadcast_in_dim(t, (_L,), ())
            plsc.store_scatter(idx_ref, [tv], fv, mask=lane0)
            t3 = tv * 3
            plsc.store_scatter(xyz_ref, [t3], cx, mask=lane0)
            plsc.store_scatter(xyz_ref, [t3 + 1], cy, mask=lane0)
            plsc.store_scatter(xyz_ref, [t3 + 2], cz, mask=lane0)

            init = (jnp.full((_L,), -1.0, jnp.float32),
                    jnp.zeros((_L,), jnp.int32))

            @plsc.parallel_loop(0, _CHUNKS, unroll=8, carry=init)
            def chunk(j, carry):
                best_v, best_i = carry
                sl = pl.ds(j * _L, _L)
                dx = x_ref[sl] - cx
                dy = y_ref[sl] - cy
                dz = z_ref[sl] - cz
                d = (dx * dx + dz * dz) + dy * dy
                nd = jnp.minimum(dist_ref[sl], d)
                dist_ref[sl] = nd
                gidx = lanes + j * _L
                upd = nd > best_v
                best_v = jnp.where(upd, nd, best_v)
                best_i = jnp.where(upd, gidx, best_i)
                return best_v, best_i

            best_v, best_i = chunk
            m = jnp.max(best_v)
            cand = jnp.where(best_v == m, best_i,
                             jnp.full((_L,), 2147483647, jnp.int32))
            nf = jnp.min(cand)
            return lax.broadcast_in_dim(nf, (_L,), ())

        lax.fori_loop(0, _S, step, jnp.zeros((_L,), jnp.int32))

        pltpu.sync_copy(idx_ref, idx_hbm.at[pl.ds(b * _S, _S)])
        pltpu.sync_copy(xyz_ref, xyz_hbm.at[pl.ds(b * _S * 3, _S * 3)])


@jax.jit
def _fps_call(pts):
    mesh = plsc.VectorSubcoreMesh(core_axis_name="c", subcore_axis_name="s")
    k = functools.partial(
        pl.kernel,
        mesh=mesh,
        compiler_params=pltpu.CompilerParams(needs_layout_passes=False),
        out_type=(
            jax.ShapeDtypeStruct((_B * _S,), jnp.int32),
            jax.ShapeDtypeStruct((_B * _S * 3,), jnp.float32),
        ),
        scratch_types=[
            pltpu.VMEM((_N,), jnp.float32),
            pltpu.VMEM((_N,), jnp.float32),
            pltpu.VMEM((_N,), jnp.float32),
            pltpu.VMEM((_N,), jnp.float32),
            pltpu.VMEM((_S,), jnp.int32),
            pltpu.VMEM((_S * 3,), jnp.float32),
        ],
    )(_fps_body)
    return k(pts)


def kernel(points):
    pts = jnp.transpose(points, (0, 2, 1)).reshape(-1)
    idx, xyz = _fps_call(pts)
    return idx.reshape(_B, _S), xyz.reshape(_B, _S, 3)

# --- scband reference (transcript-rebuilt; emitter-appended) ---
"""Pipeline reference for scband-sample-11690900979980 (READ-ONLY COPY).

The authoritative reference and input builder live on the scoring server;
editing this copy changes nothing except your own understanding.
"""

import jax, jax.numpy as jnp
import numpy as np

NUM_POINTS = 2048


def setup_inputs(seed: int = 0) -> dict:
    key = jax.random.key(seed)
    points = jax.random.normal(key, (16, 8192, 3), dtype=jnp.float32)
    return {"points": points}


def _furthest_point_sampling(points, num_samples):
    # points: [B, N, 3] -> indices [B, num_samples] int32
    B, N, _ = points.shape

    def body(carry, _):
        dist, farthest = carry
        centroid = jnp.take_along_axis(points, farthest[:, None, None], axis=1)  # [B,1,3]
        d = jnp.sum((points - centroid) ** 2, axis=-1)  # [B,N]
        dist = jnp.minimum(dist, d)
        next_far = jnp.argmax(dist, axis=-1).astype(jnp.int32)
        return (dist, next_far), farthest

    init_far = jnp.zeros((B,), dtype=jnp.int32)
    init_dist = jnp.full((B, N), 1e10, dtype=points.dtype)
    (_, _), idxs = jax.lax.scan(body, (init_dist, init_far), None, length=num_samples)
    return jnp.transpose(idxs, (1, 0))  # [B, num_samples]


def reference(points):
    # Faithful translation of Sample.forward:
    #   xyz1_ind = furthest_point_sampling(points, num_points)
    #   xyz1     = fps_gather_by_index(points.permute(0,2,1), xyz1_ind).permute(0,2,1)
    xyz1_ind = _furthest_point_sampling(points, NUM_POINTS)  # [B, N1]
    xyz1 = jnp.take_along_axis(points, xyz1_ind[:, :, None], axis=1)  # [B, N1, 3]
    return (xyz1_ind, xyz1)

if __name__ == "__main__":
    import jax
    _d = setup_inputs()
    print(jax.jit(kernel)(*tuple(_d.values())))

</pallas_src>

<mosaic_0001>
#map = affine_map<(d0, d1) -> (0)>
module attributes {stable_mosaic.version = 14 : i64} {
  func.func @_fps_body(%arg0: i32, %arg1: i32, %arg2: memref<393216xf32, #tpu.memory_space<hbm>>, %arg3: memref<32768xi32, #tpu.memory_space<hbm>>, %arg4: memref<98304xf32, #tpu.memory_space<hbm>>, %arg5: memref<8192xf32, #tpu.memory_space<vmem>>, %arg6: memref<8192xf32, #tpu.memory_space<vmem>>, %arg7: memref<8192xf32, #tpu.memory_space<vmem>>, %arg8: memref<8192xf32, #tpu.memory_space<vmem>>, %arg9: memref<2048xi32, #tpu.memory_space<vmem>>, %arg10: memref<6144xf32, #tpu.memory_space<vmem>>) attributes {dimension_semantics = [#tpu.dimension_semantics<core_parallel>, #tpu.dimension_semantics<subcore_parallel>], iteration_bounds = array<i64: 2, 16>, scalar_prefetch = 0 : i64, scratch_operands = 6 : i64, tpu.core_type = #tpu.core_type<sc_vector_subcore>, window_params = [{transform_indices = #map}, {transform_indices = #map}, {transform_indices = #map}]} {
    %eq3A = arith.constant 0 : i32
    %eq3A_0 = arith.cmpi eq, %arg0, %eq3A : i32
    %convert_element_type3A = arith.extui %eq3A_0 : i1 to i32
    %cond3A = arith.constant 0 : i32
    %cond3A_1 = arith.cmpi ne, %convert_element_type3A, %cond3A : i32
    scf.if %cond3A_1 {
      %mul3A = arith.constant 3 : i32
      %mul3A_2 = arith.muli %arg1, %mul3A : i32
      %mul3A_3 = arith.constant 8192 : i32
      %mul3A_4 = arith.muli %mul3A_2, %mul3A_3 : i32
      "tpu.region"() ({
        %run_scoped3A = tpu.sem_alloc : memref<!tpu.dma_semaphore, #tpu.memory_space<semaphore_mem>>
        %dma_start3A = tpu.memref_slice %arg2[%mul3A_4] : memref<393216xf32, #tpu.memory_space<hbm>> -> memref<8192xf32, #tpu.memory_space<hbm>>
        %dma_start3A_27 = tpu.memref_slice %arg2[%mul3A_4] : memref<393216xf32, #tpu.memory_space<hbm>> -> memref<8192xf32, #tpu.memory_space<hbm>>
        tpu.enqueue_dma source(%dma_start3A_27 : memref<8192xf32, #tpu.memory_space<hbm>>) target(%arg5 : memref<8192xf32, #tpu.memory_space<vmem>>) target_semaphore(%run_scoped3A : memref<!tpu.dma_semaphore, #tpu.memory_space<semaphore_mem>>)
        %dma_wait3A = tpu.memref_slice %arg2[%mul3A_4] : memref<393216xf32, #tpu.memory_space<hbm>> -> memref<8192xf32, #tpu.memory_space<hbm>>
        %dma_wait3A_28 = tpu.memref_slice %arg2[%mul3A_4] : memref<393216xf32, #tpu.memory_space<hbm>> -> memref<8192xf32, #tpu.memory_space<hbm>>
        tpu.wait_dma2 semaphore(%run_scoped3A : memref<!tpu.dma_semaphore, #tpu.memory_space<semaphore_mem>>) src(%dma_wait3A_28 : memref<8192xf32, #tpu.memory_space<hbm>>) dst(%arg5 : memref<8192xf32, #tpu.memory_space<vmem>>)
        tpu.yield
      }) : () -> ()
      %add3A = arith.constant 8192 : i32
      %add3A_5 = arith.addi %mul3A_4, %add3A : i32
      "tpu.region"() ({
        %run_scoped3A = tpu.sem_alloc : memref<!tpu.dma_semaphore, #tpu.memory_space<semaphore_mem>>
        %dma_start3A = tpu.memref_slice %arg2[%add3A_5] : memref<393216xf32, #tpu.memory_space<hbm>> -> memref<8192xf32, #tpu.memory_space<hbm>>
        %dma_start3A_27 = tpu.memref_slice %arg2[%add3A_5] : memref<393216xf32, #tpu.memory_space<hbm>> -> memref<8192xf32, #tpu.memory_space<hbm>>
        tpu.enqueue_dma source(%dma_start3A_27 : memref<8192xf32, #tpu.memory_space<hbm>>) target(%arg6 : memref<8192xf32, #tpu.memory_space<vmem>>) target_semaphore(%run_scoped3A : memref<!tpu.dma_semaphore, #tpu.memory_space<semaphore_mem>>)
        %dma_wait3A = tpu.memref_slice %arg2[%add3A_5] : memref<393216xf32, #tpu.memory_space<hbm>> -> memref<8192xf32, #tpu.memory_space<hbm>>
        %dma_wait3A_28 = tpu.memref_slice %arg2[%add3A_5] : memref<393216xf32, #tpu.memory_space<hbm>> -> memref<8192xf32, #tpu.memory_space<hbm>>
        tpu.wait_dma2 semaphore(%run_scoped3A : memref<!tpu.dma_semaphore, #tpu.memory_space<semaphore_mem>>) src(%dma_wait3A_28 : memref<8192xf32, #tpu.memory_space<hbm>>) dst(%arg6 : memref<8192xf32, #tpu.memory_space<vmem>>)
        tpu.yield
      }) : () -> ()
      %add3A_6 = arith.constant 16384 : i32
      %add3A_7 = arith.addi %mul3A_4, %add3A_6 : i32
      "tpu.region"() ({
        %run_scoped3A = tpu.sem_alloc : memref<!tpu.dma_semaphore, #tpu.memory_space<semaphore_mem>>
        %dma_start3A = tpu.memref_slice %arg2[%add3A_7] : memref<393216xf32, #tpu.memory_space<hbm>> -> memref<8192xf32, #tpu.memory_space<hbm>>
        %dma_start3A_27 = tpu.memref_slice %arg2[%add3A_7] : memref<393216xf32, #tpu.memory_space<hbm>> -> memref<8192xf32, #tpu.memory_space<hbm>>
        tpu.enqueue_dma source(%dma_start3A_27 : memref<8192xf32, #tpu.memory_space<hbm>>) target(%arg7 : memref<8192xf32, #tpu.memory_space<vmem>>) target_semaphore(%run_scoped3A : memref<!tpu.dma_semaphore, #tpu.memory_space<semaphore_mem>>)
        %dma_wait3A = tpu.memref_slice %arg2[%add3A_7] : memref<393216xf32, #tpu.memory_space<hbm>> -> memref<8192xf32, #tpu.memory_space<hbm>>
        %dma_wait3A_28 = tpu.memref_slice %arg2[%add3A_7] : memref<393216xf32, #tpu.memory_space<hbm>> -> memref<8192xf32, #tpu.memory_space<hbm>>
        tpu.wait_dma2 semaphore(%run_scoped3A : memref<!tpu.dma_semaphore, #tpu.memory_space<semaphore_mem>>) src(%dma_wait3A_28 : memref<8192xf32, #tpu.memory_space<hbm>>) dst(%arg7 : memref<8192xf32, #tpu.memory_space<vmem>>)
        tpu.yield
      }) : () -> ()
      %iota3A = tpu.iota {dimensions = array<i32: 0>} : vector<16xi32>
      %eq3A_8 = arith.constant 0 : i32
      %eq3A_9 = vector.broadcast %eq3A_8 : i32 to vector<16xi32>
      %eq3A_10 = arith.cmpi eq, %iota3A, %eq3A_9 : vector<16xi32>
      %broadcast_in_dim3A = arith.constant 1.000000e+10 : f32
      %broadcast_in_dim3A_11 = vector.broadcast %broadcast_in_dim3A : f32 to vector<16xf32>
      %parallel_loop3A = arith.constant 0 : i32
      %parallel_loop3A_12 = arith.constant 512 : i32
      %parallel_loop3A_13 = arith.constant 1 : i32
      scf.for %parallel_loop3A_27 = %parallel_loop3A to %parallel_loop3A_12 step %parallel_loop3A_13  : i32 {
        %parallel_loop3A_28 = arith.constant 16 : i32
        %parallel_loop3A_29 = arith.muli %parallel_loop3A_27, %parallel_loop3A_28 : i32
        %parallel_loop3A_30 = arith.index_cast %parallel_loop3A_29 : i32 to index
        %parallel_loop3A_31 = tpu.vector_load %arg8[%parallel_loop3A_30] {strides = array<i32>} : memref<8192xf32, #tpu.memory_space<vmem>>, vector<16xf32>,
        tpu.vector_store %arg8[%parallel_loop3A_30], %broadcast_in_dim3A_11 {strides = array<i32>} : memref<8192xf32, #tpu.memory_space<vmem>>, vector<16xf32>,
      } {sc.loop_unroll_factor = 8 : i64, sc.parallel_access}
      %broadcast_in_dim3A_14 = arith.constant 0 : i32
      %broadcast_in_dim3A_15 = vector.broadcast %broadcast_in_dim3A_14 : i32 to vector<16xi32>
      %scan3A = arith.constant 0 : i32
      %scan3A_16 = arith.constant 2048 : i32
      %scan3A_17 = arith.addi %scan3A, %scan3A_16 : i32
      %scan3A_18 = arith.constant 1 : i32
      %scan3A_19 = scf.for %scan3A_27 = %scan3A to %scan3A_17 step %scan3A_18 iter_args(%scan3A_28 = %broadcast_in_dim3A_15) -> (vector<16xi32>)  : i32 {
        %gather3A = tpu.vector_load_idx %arg5[%scan3A_28] : memref<8192xf32, #tpu.memory_space<vmem>>[vector<16xi32>], vector<16xf32>,
        %gather3A_29 = tpu.vector_load_idx %arg6[%scan3A_28] : memref<8192xf32, #tpu.memory_space<vmem>>[vector<16xi32>], vector<16xf32>,
        %gather3A_30 = tpu.vector_load_idx %arg7[%scan3A_28] : memref<8192xf32, #tpu.memory_space<vmem>>[vector<16xi32>], vector<16xf32>,
        %broadcast_in_dim3A_31 = vector.broadcast %scan3A_27 : i32 to vector<16xi32>
        tpu.vector_store_idx %arg9[%broadcast_in_dim3A_31], %scan3A_28 masked %eq3A_10 : memref<2048xi32, #tpu.memory_space<vmem>>[vector<16xi32>], vector<16xi32>, vector<16xi1>
        %mul3A_32 = arith.constant 3 : i32
        %mul3A_33 = vector.broadcast %mul3A_32 : i32 to vector<16xi32>
        %mul3A_34 = arith.muli %broadcast_in_dim3A_31, %mul3A_33 : vector<16xi32>
        tpu.vector_store_idx %arg10[%mul3A_34], %gather3A masked %eq3A_10 : memref<6144xf32, #tpu.memory_space<vmem>>[vector<16xi32>], vector<16xf32>, vector<16xi1>
        %add3A_35 = arith.constant 1 : i32
        %add3A_36 = vector.broadcast %add3A_35 : i32 to vector<16xi32>
        %add3A_37 = arith.addi %mul3A_34, %add3A_36 : vector<16xi32>
        tpu.vector_store_idx %arg10[%add3A_37], %gather3A_29 masked %eq3A_10 : memref<6144xf32, #tpu.memory_space<vmem>>[vector<16xi32>], vector<16xf32>, vector<16xi1>
        %add3A_38 = arith.constant 2 : i32
        %add3A_39 = vector.broadcast %add3A_38 : i32 to vector<16xi32>
        %add3A_40 = arith.addi %mul3A_34, %add3A_39 : vector<16xi32>
        tpu.vector_store_idx %arg10[%add3A_40], %gather3A_30 masked %eq3A_10 : memref<6144xf32, #tpu.memory_space<vmem>>[vector<16xi32>], vector<16xf32>, vector<16xi1>
        %broadcast_in_dim3A_41 = arith.constant -1.000000e+00 : f32
        %broadcast_in_dim3A_42 = vector.broadcast %broadcast_in_dim3A_41 : f32 to vector<16xf32>
        %broadcast_in_dim3A_43 = arith.constant 0 : i32
        %broadcast_in_dim3A_44 = vector.broadcast %broadcast_in_dim3A_43 : i32 to vector<16xi32>
        %parallel_loop3A_45 = arith.constant 0 : i32
        %parallel_loop3A_46 = arith.constant 512 : i32
        %parallel_loop3A_47 = arith.constant 1 : i32
        %parallel_loop3A_48:2 = scf.for %parallel_loop3A_64 = %parallel_loop3A_45 to %parallel_loop3A_46 step %parallel_loop3A_47 iter_args(%parallel_loop3A_65 = %broadcast_in_dim3A_42, %parallel_loop3A_66 = %broadcast_in_dim3A_44) -> (vector<16xf32>, vector<16xi32>)  : i32 {
          %parallel_loop3A_67 = arith.constant 16 : i32
          %parallel_loop3A_68 = arith.muli %parallel_loop3A_64, %parallel_loop3A_67 : i32
          %parallel_loop3A_69 = arith.index_cast %parallel_loop3A_68 : i32 to index
          %parallel_loop3A_70 = tpu.vector_load %arg5[%parallel_loop3A_69] {strides = array<i32>} : memref<8192xf32, #tpu.memory_space<vmem>>, vector<16xf32>,
          %parallel_loop3A_71 = arith.subf %parallel_loop3A_70, %gather3A : vector<16xf32>
          %parallel_loop3A_72 = arith.index_cast %parallel_loop3A_68 : i32 to index
          %parallel_loop3A_73 = tpu.vector_load %arg6[%parallel_loop3A_72] {strides = array<i32>} : memref<8192xf32, #tpu.memory_space<vmem>>, vector<16xf32>,
          %parallel_loop3A_74 = arith.subf %parallel_loop3A_73, %gather3A_29 : vector<16xf32>
          %parallel_loop3A_75 = arith.index_cast %parallel_loop3A_68 : i32 to index
          %parallel_loop3A_76 = tpu.vector_load %arg7[%parallel_loop3A_75] {strides = array<i32>} : memref<8192xf32, #tpu.memory_space<vmem>>, vector<16xf32>,
          %parallel_loop3A_77 = arith.subf %parallel_loop3A_76, %gather3A_30 : vector<16xf32>
          %parallel_loop3A_78 = arith.mulf %parallel_loop3A_71, %parallel_loop3A_71 : vector<16xf32>
          %parallel_loop3A_79 = arith.mulf %parallel_loop3A_77, %parallel_loop3A_77 : vector<16xf32>
          %parallel_loop3A_80 = arith.addf %parallel_loop3A_78, %parallel_loop3A_79 : vector<16xf32>
          %parallel_loop3A_81 = arith.mulf %parallel_loop3A_74, %parallel_loop3A_74 : vector<16xf32>
          %parallel_loop3A_82 = arith.addf %parallel_loop3A_80, %parallel_loop3A_81 : vector<16xf32>
          %parallel_loop3A_83 = arith.index_cast %parallel_loop3A_68 : i32 to index
          %parallel_loop3A_84 = tpu.vector_load %arg8[%parallel_loop3A_83] {strides = array<i32>} : memref<8192xf32, #tpu.memory_space<vmem>>, vector<16xf32>,
          %parallel_loop3A_85 = arith.minimumf %parallel_loop3A_84, %parallel_loop3A_82 : vector<16xf32>
          %parallel_loop3A_86 = arith.index_cast %parallel_loop3A_68 : i32 to index
          %parallel_loop3A_87 = tpu.vector_load %arg8[%parallel_loop3A_86] {strides = array<i32>} : memref<8192xf32, #tpu.memory_space<vmem>>, vector<16xf32>,
          tpu.vector_store %arg8[%parallel_loop3A_86], %parallel_loop3A_85 {strides = array<i32>} : memref<8192xf32, #tpu.memory_space<vmem>>, vector<16xf32>,
          %parallel_loop3A_88 = arith.constant 16 : i32
          %parallel_loop3A_89 = arith.muli %parallel_loop3A_64, %parallel_loop3A_88 : i32
          %parallel_loop3A_90 = vector.broadcast %parallel_loop3A_89 : i32 to vector<16xi32>
          %parallel_loop3A_91 = arith.addi %iota3A, %parallel_loop3A_90 : vector<16xi32>
          %parallel_loop3A_92 = arith.cmpf ogt, %parallel_loop3A_85, %parallel_loop3A_65 : vector<16xf32>
          %parallel_loop3A_93 = arith.select %parallel_loop3A_92, %parallel_loop3A_85, %parallel_loop3A_65 : vector<16xi1>, vector<16xf32>
          %parallel_loop3A_94 = arith.select %parallel_loop3A_92, %parallel_loop3A_91, %parallel_loop3A_66 : vector<16xi1>, vector<16xi32>
          scf.yield %parallel_loop3A_93, %parallel_loop3A_94 : vector<16xf32>, vector<16xi32>
        } {sc.loop_unroll_factor = 8 : i64, sc.parallel_access}
        %reduce_max3A = arith.constant true
        %reduce_max3A_49 = vector.broadcast %reduce_max3A : i1 to vector<16xi1>
        %reduce_max3A_50 = tpu.scan <max>, %parallel_loop3A_48#0 masked %reduce_max3A_49 : vector<16xf32>, vector<16xi1> -> vector<16xf32>
        %reduce_max3A_51 = vector.extract %reduce_max3A_50[15] : f32 from vector<16xf32>
        %eq3A_52 = vector.broadcast %reduce_max3A_51 : f32 to vector<16xf32>
        %eq3A_53 = arith.cmpf oeq, %parallel_loop3A_48#0, %eq3A_52 : vector<16xf32>
        %broadcast_in_dim3A_54 = arith.constant 2147483647 : i32
        %broadcast_in_dim3A_55 = vector.broadcast %broadcast_in_dim3A_54 : i32 to vector<16xi32>
        %select_n3A = arith.select %eq3A_53, %parallel_loop3A_48#1, %broadcast_in_dim3A_55 : vector<16xi1>, vector<16xi32>
        %reduce_min3A = arith.constant true
        %reduce_min3A_56 = vector.broadcast %reduce_min3A : i1 to vector<16xi1>
        %reduce_min3A_57 = arith.constant -2147483648 : i32
        %reduce_min3A_58 = vector.broadcast %reduce_min3A_57 : i32 to vector<16xi32>
        %reduce_min3A_59 = arith.xori %select_n3A, %reduce_min3A_58 : vector<16xi32>
        %reduce_min3A_60 = tpu.scan <min>, %reduce_min3A_59 masked %reduce_min3A_56 : vector<16xi32>, vector<16xi1> -> vector<16xi32>
        %reduce_min3A_61 = arith.xori %reduce_min3A_60, %reduce_min3A_58 : vector<16xi32>
        %reduce_min3A_62 = vector.extract %reduce_min3A_61[15] : i32 from vector<16xi32>
        %broadcast_in_dim3A_63 = vector.broadcast %reduce_min3A_62 : i32 to vector<16xi32>
        scf.yield %broadcast_in_dim3A_63 : vector<16xi32>
      }
      %scan3A_20 = arith.constant 2048 : i32
      %mul3A_21 = arith.constant 2048 : i32
      %mul3A_22 = arith.muli %arg1, %mul3A_21 : i32
      "tpu.region"() ({
        %run_scoped3A = tpu.sem_alloc : memref<!tpu.dma_semaphore, #tpu.memory_space<semaphore_mem>>
        %dma_start3A = tpu.memref_slice %arg3[%mul3A_22] : memref<32768xi32, #tpu.memory_space<hbm>> -> memref<2048xi32, #tpu.memory_space<hbm>>
        %dma_start3A_27 = tpu.memref_slice %arg3[%mul3A_22] : memref<32768xi32, #tpu.memory_space<hbm>> -> memref<2048xi32, #tpu.memory_space<hbm>>
        tpu.enqueue_dma source(%arg9 : memref<2048xi32, #tpu.memory_space<vmem>>) target(%dma_start3A_27 : memref<2048xi32, #tpu.memory_space<hbm>>) target_semaphore(%run_scoped3A : memref<!tpu.dma_semaphore, #tpu.memory_space<semaphore_mem>>)
        %dma_wait3A = tpu.memref_slice %arg3[%mul3A_22] : memref<32768xi32, #tpu.memory_space<hbm>> -> memref<2048xi32, #tpu.memory_space<hbm>>
        %dma_wait3A_28 = tpu.memref_slice %arg3[%mul3A_22] : memref<32768xi32, #tpu.memory_space<hbm>> -> memref<2048xi32, #tpu.memory_space<hbm>>
        tpu.wait_dma2 semaphore(%run_scoped3A : memref<!tpu.dma_semaphore, #tpu.memory_space<semaphore_mem>>) src(%arg9 : memref<2048xi32, #tpu.memory_space<vmem>>) dst(%dma_wait3A_28 : memref<2048xi32, #tpu.memory_space<hbm>>)
        tpu.yield
      }) : () -> ()
      %mul3A_23 = arith.constant 2048 : i32
      %mul3A_24 = arith.muli %arg1, %mul3A_23 : i32
      %mul3A_25 = arith.constant 3 : i32
      %mul3A_26 = arith.muli %mul3A_24, %mul3A_25 : i32
      "tpu.region"() ({
        %run_scoped3A = tpu.sem_alloc : memref<!tpu.dma_semaphore, #tpu.memory_space<semaphore_mem>>
        %dma_start3A = tpu.memref_slice %arg4[%mul3A_26] : memref<98304xf32, #tpu.memory_space<hbm>> -> memref<6144xf32, #tpu.memory_space<hbm>>
        %dma_start3A_27 = tpu.memref_slice %arg4[%mul3A_26] : memref<98304xf32, #tpu.memory_space<hbm>> -> memref<6144xf32, #tpu.memory_space<hbm>>
        tpu.enqueue_dma source(%arg10 : memref<6144xf32, #tpu.memory_space<vmem>>) target(%dma_start3A_27 : memref<6144xf32, #tpu.memory_space<hbm>>) target_semaphore(%run_scoped3A : memref<!tpu.dma_semaphore, #tpu.memory_space<semaphore_mem>>)
        %dma_wait3A = tpu.memref_slice %arg4[%mul3A_26] : memref<98304xf32, #tpu.memory_space<hbm>> -> memref<6144xf32, #tpu.memory_space<hbm>>
        %dma_wait3A_28 = tpu.memref_slice %arg4[%mul3A_26] : memref<98304xf32, #tpu.memory_space<hbm>> -> memref<6144xf32, #tpu.memory_space<hbm>>
        tpu.wait_dma2 semaphore(%run_scoped3A : memref<!tpu.dma_semaphore, #tpu.memory_space<semaphore_mem>>) src(%arg10 : memref<6144xf32, #tpu.memory_space<vmem>>) dst(%dma_wait3A_28 : memref<6144xf32, #tpu.memory_space<hbm>>)
        tpu.yield
      }) : () -> ()
    } else {
    }
    return
  }
}

</mosaic_0001>

<sc_bundles>
// kernel: _fps_call.3.cloned.1.call-start
scs
__scs_entry_jumppad:
0x0: {  	(pc) =	sbr.rel $0x88, $3  }
0x1: {  	(tag) =	ssettag $0x0;
	lr =	simm.s32 $0x1  }
0x2: {  	[smem:$0x3FA0] =	sst lr;
	_ =	strace $0xD0000000  }
0x3: {  	_ = 	snop  }
0x4: {  	_ = 	snop  }
0x5: {  	_ = 	snop  }
0x6: {  	_ = 	snop  }
0x7: {  	_ = 	snop  }
__scs_overlays_trampoline_lowered:
0x8: {  	[smem:$0x3FAF] =	sst s0  }
0x9: {  	[smem:$0x3FB0] =	sst s1  }
0xa: {  	[smem:$0x3FB1] =	sst s2  }
0xb: {  	[smem:$0x3FB2] =	sst s3  }
0xc: {  	[smem:$0x3FB3] =	sst s4  }
0xd: {  	[smem:$0x3FB4] =	sst s5  }
0xe: {  	[smem:$0x3FB5] =	sst s6  }
0xf: {  	[smem:$0x3FB6] =	sst s7  }
0x10: {  	[smem:$0x3FB7] =	sst s8  }
0x11: {  	[smem:$0x3FB8] =	sst s9;
	s0 =	simm.s32 @!p0 $0x0  }
0x12: {  	s1 =	sld [smem:$0x3F9E];
	s0 =	simm.s32 @p0 $0x1  }
0x13: {  	[smem:$0x3FB9] =	sst s0;
	s0 =	simm.s32 @!p1 $0x0  }
0x14: {  	s2 =	sld [smem:$0x3F9D];
	s0 =	simm.s32 @p1 $0x1  }
0x15: {  	[smem:$0x3FBA] =	sst s0;
	s0 =	simm.s32 @!p2 $0x0  }
0x16: {  	s3 =	sld [smem:$0x3FDB];
	s0 =	simm.s32 @p2 $0x1  }
0x17: {  	s4 =	simm.s32 $0x1BF5;
	[smem:$0x3FBC] =	sst s0  }
0x18: {  	s0 =	sld [smem:$0x3F9F];
	_ =	swait.ge [sflag:s4], $0x0  }
0x19: {  	s7 =	sld [smem:$0x3FA0]  }
0x1a: {  	s8 =	sadd.s32 $0xFFFFE003, lr  }
0x1b: {  	s9 =	sadd.s32 $0xFFFFFEF7, lr;
	s5 =	simm.s32 $0xFFFFFFFF;
	p2 =	slt.u32 s8, $0xFFFFF086  }
0x1c: {  	p1 =	slt.u32 s9, $0xF7A;
	s5 =	simm.s32 @!p2 $0x0  }
0x1d: {  	s5 =	simm.s32 @p1 $0x1;
	p0 =	seq.s32 s7, s2  }
0x1e: {  	s7 =	smul.u32 @!p0 $0xF7A, s2;
	p2 =	seq.s32 @!p0 s5, $0x0  }
0x1f: {  	s9 =	smul.u32 $0xF7A, s1;
	s8 =	simm.s32 @!p0 $0x1BF5;
	p2 =	por !p2, p0  }
0x20: {  	[sflag:s8] =	ssyncset.s32 @!p0 $0xFFFFF086;
	s6 =	sadd.s32 @!p0 s3, s7;
	s7 =	simm.s32 @!p0 $0x108  }
0x21: {  	s3 =	sadd.s32 s3, s9;
	s6 =	sadd.s32 @!p0 $0x88, s6;
	s7 =	simm.s32 @p2 $0x1082  }
0x22: {  	[simem:s7], [sflag:s8] =	dma.local @!p0 [hbm:s6], $0xF7A  }
0x23: {  	s9 =	sor.u32 $0xD0000000, s2;
	s6 =	simm.s32 $0x108;
	_ =	swait.ge @!p0 [sflag:s8], $0x0  }
0x24: {  	s3 =	sadd.s32 $0x88, s3;
	s6 =	simm.s32 @!p1 $0x1082;
	[sflag:s4] =	ssyncset.s32 $0xFFFFF086  }
0x25: {  	[simem:s6], [sflag:s4] =	dma.local [hbm:s3], $0xF7A  }
0x26: {  	[smem:$0x3FA0] =	sst s1;
	(tag) =	ssettag s2;
	_ =	strace s9  }
0x27: {  	s1 =	sld [smem:$0x3FB0]  }
0x28: {  	s2 =	sld [smem:$0x3FB1]  }
0x29: {  	s4 =	sld [smem:$0x3FB3]  }
0x2a: {  	p0 =	seq.s32 s5, $0x0;
	s5 =	sld [smem:$0x3FB4]  }
0x2b: {  	s6 =	sld [smem:$0x3FB5]  }
0x2c: {  	s7 =	sld [smem:$0x3FB6]  }
0x2d: {  	s3 =	simm.s32 $0x108;
	s8 =	sld [smem:$0x3FB7]  }
0x2e: {  	s3 =	simm.s32 @!p0 $0x1082;
	s9 =	sld [smem:$0x3FB8]  }
0x2f: {  	lr =	sadd.s32 s0, s3;
	s0 =	sld [smem:$0x3FAF]  }
0x30: {  	s3 =	sld [smem:$0x3FB2]  }
0x31: {  	[smem:$0x3FBB] =	sst s10  }
0x32: {  	s10 =	sld [smem:$0x3FB9];
	_ =	sdelay $0x3  }
0x33: {  	p0 =	seq.s32 s10, $0x1;
	s10 =	sld [smem:$0x3FBB];
	_ =	sdelay $0x3  }
0x34: {  	[smem:$0x3FBB] =	sst s10  }
0x35: {  	s10 =	sld [smem:$0x3FBA];
	_ =	sdelay $0x3  }
0x36: {  	p1 =	seq.s32 s10, $0x1;
	s10 =	sld [smem:$0x3FBB];
	_ =	sdelay $0x3  }
0x37: {  	[smem:$0x3FBB] =	sst s10  }
0x38: {  	s10 =	sld [smem:$0x3FBC]  }
0x39: {  	_ = 	snop;
	(pc) =	sbr.ind lr, $3  }
0x3a: {  	_ = 	snop  }
0x3b: {  	_ = 	snop  }
0x3c: {  	p2 =	seq.s32 s10, $0x1;
	s10 =	sld [smem:$0x3FBB]  }
0x3d: {  	_ =	shalt  }
0x3e: {  	_ =	shalt  }
0x3f: {  	_ =	shalt  }
0x40: {  	_ =	shalt  }
0x41: {  	_ =	shalt  }
0x42: {  	_ =	shalt  }
0x43: {  	_ =	shalt  }
0x44: {  	_ =	shalt  }
0x45: {  	_ =	shalt  }
0x46: {  	_ =	shalt  }
0x47: {  	_ =	shalt  }
0x48: {  	_ =	shalt  }
0x49: {  	_ =	shalt  }
0x4a: {  	_ =	shalt  }
0x4b: {  	_ =	shalt  }
0x4c: {  	_ =	shalt  }
0x4d: {  	_ =	shalt  }
0x4e: {  	_ =	shalt  }
0x4f: {  	_ =	shalt  }
0x50: {  	_ =	shalt  }
0x51: {  	_ =	shalt  }
0x52: {  	_ =	shalt  }
0x53: {  	_ =	shalt  }
0x54: {  	_ =	shalt  }
0x55: {  	_ =	shalt  }
0x56: {  	_ =	shalt  }
0x57: {  	_ =	shalt  }
0x58: {  	_ =	shalt  }
0x59: {  	_ =	shalt  }
0x5a: {  	_ =	shalt  }
0x5b: {  	_ =	shalt  }
0x5c: {  	_ =	shalt  }
0x5d: {  	_ =	shalt  }
0x5e: {  	_ =	shalt  }
0x5f: {  	_ =	shalt  }
0x60: {  	_ =	shalt  }
0x61: {  	_ =	shalt  }
0x62: {  	_ =	shalt  }
0x63: {  	_ =	shalt  }
0x64: {  	_ =	shalt  }
0x65: {  	_ =	shalt  }
0x66: {  	_ =	shalt  }
0x67: {  	_ =	shalt  }
0x68: {  	_ =	shalt  }
0x69: {  	_ =	shalt  }
0x6a: {  	_ =	shalt  }
0x6b: {  	_ =	shalt  }
0x6c: {  	_ =	shalt  }
0x6d: {  	_ =	shalt  }
0x6e: {  	_ =	shalt  }
0x6f: {  	_ =	shalt  }
0x70: {  	_ =	shalt  }
0x71: {  	_ =	shalt  }
0x72: {  	_ =	shalt  }
0x73: {  	_ =	shalt  }
0x74: {  	_ =	shalt  }
0x75: {  	_ =	shalt  }
0x76: {  	_ =	shalt  }
0x77: {  	_ =	shalt  }
0x78: {  	_ =	shalt  }
0x79: {  	_ =	shalt  }
0x7a: {  	_ =	shalt  }
0x7b: {  	_ =	shalt  }
0x7c: {  	_ =	shalt  }
0x7d: {  	_ =	shalt  }
0x7e: {  	_ =	shalt  }
0x7f: {  	_ =	shalt  }
0x80: {  	_ =	shalt  }
0x81: {  	_ =	shalt  }
0x82: {  	_ =	shalt  }
0x83: {  	_ =	shalt  }
0x84: {  	_ =	shalt  }
0x85: {  	_ =	shalt  }
0x86: {  	_ =	shalt  }
0x87: {  	_ =	shalt  }
.Lfunc_end0:
.L_simem_size_0:
called_computation_lowered:
.L_overlay_start_0:
0x88: {  	s2 =	sld [smem:$0x3FD9]  }
0x89: {  	s3 =	sld [smem:$0x3FFE];
	_ =	sdelay $0x1  }
0x8a: {  	s1 =	srdreg.scid  }
0x8b: {  	s0 =	sand.u32 $0x1, s1  }
0x8c: {  	s15 =	sshll.u32 s0, $0xA;
	s2 =	sadd.s32 s3, s2  }
0x8d: {  	s2 =	sadd.s32 s2, s15  }
0x8e: {  	[smem:$0x3FC7] =	sst s2  }
0x8f: {  	_ = 	snop  }
0x90: {  	s2 =	sld [smem:$0x3FD0];
	_ =	sdelay $0x2  }
0x91: {  	s4 =	simm.s32 $0xA;
	s5 =	simm.s32 $0x10;
	s16 =	sld [smem:$0x3FC9]  }
0x92: {  	[smem:s5], [sflag:s4] =	dma.local [hbm:s2], $0x1  }
0x93: {  	_ =	swait.eq [sflag:s4], $0x1  }
0x94: {  	[sflag:s4] =	ssyncset.done $0x0  }
0x95: {  	s17 =	sld [smem:$0x10];
	[sflag:s4] =	ssyncadd.s32 $0xFFFFFFFF  }
0x96: {  	s18 =	sld [smem:$0x11];
	(tm) =	ssettm $0x1  }
0x97: {  	s19 =	sld [smem:$0x3FFB];
	_ =	sdelay $0x3  }
0x98: {  	_ =	strace s19  }
0x99: {  	s5 =	sld [smem:$0x3FFC];
	_ =	sdelay $0x3  }
0x9a: {  	_ =	strace s5  }
0x9b: {  	s5 =	sld [smem:$0x3FFD];
	_ =	sdelay $0x3  }
0x9c: {  	_ =	strace s5  }
0x9d: {  	_ =	strace $0x8FFFFFFF  }
0x9e: {  	s20 =	sld [smem:$0x3FDB];
	_ =	sdelay $0x1  }
0x9f: {  	s6 =	simm.s32 $_scs_section_size  }
0xa0: {  	s7 =	simm.s32 $_size__tile_overlayer_lowered;
	s8 =	simm.s32 $_tile_overlayer_lowered  }
0xa1: {  	s23 =	simm.s32 $0x1BFF;
	s22 =	sshll.u32 s8, $0x1;
	s5 =	sadd.s32 s6, s20  }
0xa2: {  	s9 =	simm.s32 $0x0;
	s21 =	sshll.u32 s7, $0x1;
	s7 =	sadd.s32 s22, s5  }
0xa3: {  	[timem:s9], [sflag:s23] =	dma.local [hbm:s7], s21  }
0xa4: {  	_ =	swait.ge [sflag:s23], s21  }
0xa5: {  	s6 =	ssub.s32 $0x0, s21;
	[sflag:s23] =	ssyncset.done $0x0  }
0xa6: {  	[sflag:s23] =	ssyncadd.s32 s6;
	_ =	sdelay $0x1  }
0xa7: {  	s24 =	simm.s32 $0x1B8B  }
0xa8: {  	_ =	swait.ge [sflag:s24], $0x1  }
0xa9: {  	[sflag:s24] =	ssyncset.done $0x0  }
0xaa: {  	s25 =	simm.s32 $0x1B8E;
	[sflag:s24] =	ssyncadd.s32 $0xFFFFFFFF  }
0xab: {  	s26 =	simm.s32 $execute0_lowered;
	[smem:$0x3FD2] =	sst s25  }
0xac: {  	s6 =	sshll.u32 s26, $0x1;
	_ =	strace $0x80000046;
	[dreg:$0x1] =	wrdreg $0xFFFFFFFF  }
0xad: {  	s28 =	simm.s32 $_size_execute0_lowered;
	s5 =	sadd.s32 s5, s6;
	[dreg:$0x0] =	wrdreg $0x0  }
0xae: {  	s6 =	sshll.u32 s28, $0x1;
	[dreg:$0x2] =	wrdreg s5  }
0xaf: {  	[dreg:$0x3] =	wrdreg s6  }
0xb0: {  	[dreg:$0x4] =	wrdreg $0xC0  }
0xb1: {  	_ =	task [dreg:s9], $0x5FFFF  }
0xb2: {  	[dreg:$0x1] =	wrdreg $0xFFFFFFFF  }
0xb3: {  	[dreg:$0x0] =	wrdreg $0x60  }
0xb4: {  	[dreg:$0x2] =	wrdreg s16  }
0xb5: {  	[dreg:$0x3] =	wrdreg s17  }
0xb6: {  	[dreg:$0x4] =	wrdreg s18  }
0xb7: {  	[dreg:$0x5] =	wrdreg $0x9  }
0xb8: {  	_ =	task.clear_ibuf [dreg:s9], $0x6FFFF;
	_ =	strace $0x90000046  }
0xb9: {  	s29 =	simm.s32 $0x9;
	_ =	strace $0x80000048  }
0xba: {  	_ =	swait.ge [sflag:s29], $0x1  }
0xbb: {  	[sflag:s29] =	ssyncadd.s32 $0xFFFFFFFF  }
0xbc: {  	_ =	strace $0x90000048  }
0xbd: {  	_ =	sfence  }
0xbe: {  	s30 =	sld [smem:$0x0];
	_ =	sdelay $0x2  }
0xbf: {  	s31 =	sshll.u32 s1, $0xD;
	s1 =	sshrl.u32 s1, $0x2  }
0xc0: {  	s3 =	sand.u32 $0x4000, s31;
	s1 =	sadd.s32 s1, s30  }
0xc1: {  	s0 =	sor.u32 s3, s0;
	s1 =	sshll.u32 s1, $0x11  }
0xc2: {  	s0 =	sor.u32 s1, s0  }
0xc3: {  	s0 =	sadd.s32 $0x8F2B, s0  }
0xc4: {  	[sflag:s0] =	ssyncadd.remote.s32 $0x1  }
0xc5: {  	_ =	sfence.sel $0xFFFF  }
0xc6: {  	[dreg:$0x0] =	wrdreg $0xFFFFFFFF;
	(pc) =	sbr.abs _section_cstart, $3  }
0xc7: {  	[dreg:$0x1] =	wrdreg $0xFFFFFFFF  }
0xc8: {  	_ =	task.clear_ibuf [dreg:s9], $0x2FFFF;
	_ =	strace $0x9FFFFFFF  }
0xc9: {  	(tm) =	ssettm $0x7FFFFFFF  }
tec
execute0_lowered:
.L_overlay_start_1:
0x0: {  	(tag) =	ssettag $0x1  }
0x1: {  	s1 =	srdreg.scid  }
0x2: {  	s1 =	sand.u32 $0x1, s1  }
0x3: {  	p0 =	seq.s32 s1, $0x1  }
.Ltmp0:
0x4: {  	s5 =	rddreg [dreg:$0x0];
	(pc) =	sbr.rel @p0 .LBB2_8-.Ltmp0, $4  }
0x5: {  	s2 =	rddreg [dreg:$0x1]  }
0x6: {  	s4 =	rddreg [dreg:$0x2];
	s3 =	simm.s32 $0x0  }
0x7: {  	[smem:$0x7FF] =	sst s3  }
0x8: {  	s0 =	rddreg [dreg:$0x3];
	_ =	strace $0x80000047;
	s1 =	stileid.u32  }
0x9: {  	s6 =	smul.u32 $0x6000, s1;
	_ =	sdelay $0x1  }
0xa: {  	s6 =	sshrl.u32 s6, $0x3  }
0xb: {  	s28 =	simm.s32 $0x1;
	s5 =	sadd.s32 s5, s6  }
0xc: {  	[tilespmem:s3], [sflag:$0x1] =	stream.linear.gather [hbm4b:s5+s3], $0x2000, $0x38;
	[tilespmem:$0xA000] =	vst v63  }
0xd: {  	_ =	swait.ge [sflag:s28], $0x2000  }
0xe: {  	[sflag:s28] =	ssyncset.done $0x0  }
0xf: {  	s8 =	simm.s32 $0x2000;
	s7 =	sadd.s32 $0x400, s5;
	[sflag:s28] =	ssyncadd.s32 $0xFFFFE000  }
0x10: {  	[tilespmem:s8], [sflag:$0x1] =	stream.linear.gather [hbm4b:s7+s3], $0x2000, $0x38;
	[tilespmem:$0xA000] =	vst v63  }
0x11: {  	_ =	swait.ge [sflag:s28], $0x2000  }
0x12: {  	[sflag:s28] =	ssyncset.done $0x0  }
0x13: {  	s29 =	simm.s32 $0x4000;
	s5 =	sadd.s32 $0x800, s5;
	[sflag:s28] =	ssyncadd.s32 $0xFFFFE000  }
0x14: {  	[tilespmem:s29], [sflag:$0x1] =	stream.linear.gather [hbm4b:s5+s3], $0x2000, $0x38;
	[tilespmem:$0xA000] =	vst v63  }
0x15: {  	_ =	swait.ge [sflag:s28], $0x2000  }
0x16: {  	[sflag:s28] =	ssyncset.done $0x0  }
0x17: {  	v0 =	vimm.f32 $1.000000000e+10;
	s7 =	simm.s32 $0x6040;
	[sflag:s28] =	ssyncadd.s32 $0xFFFFE000  }
0x18: {  	[tilespmem:s7+$0xFFFFFFC0] =	vst v0  }
0x19: {  	[tilespmem:s7+$0x30] =	vst v0  }
0x1a: {  	[tilespmem:s7+$0x20] =	vst v0  }
0x1b: {  	[tilespmem:s7+$0x10] =	vst v0  }
0x1c: {  	s30 =	smul.u32 $0x300, s1;
	[tilespmem:s7+$0x0] =	vst v0  }
0x1d: {  	s31 =	sshll.u32 s1, $0x8;
	[tilespmem:s7+$0xFFFFFFF0] =	vst v0  }
0x1e: {  	s3 =	sadd.s32 s2, s31;
	s2 =	sadd.s32 s4, s30;
	s4 =	simm.s32 $0x0;
	[tilespmem:s7+$0xFFFFFFE0] =	vst v0  }
.LBB2_2:
0x1f: {  	s4 =	sadd.s32 $0x8, s4;
	[tilespmem:s7+$0xFFFFFFD0] =	vst v0;
	s7 =	sadd.s32 $0x80, s7  }
0x20: {  	[tilespmem:s7+$0xFFFFFFC0] =	vst v0;
	p0 =	slt.u32 s4, $0x1F8  }
0x21: {  	[tilespmem:s7+$0x30] =	vst v0  }
.Ltmp1:
0x22: {  	[tilespmem:s7+$0x20] =	vst v0;
	(pc) =	sbr.rel @p0 .LBB2_2-.Ltmp1, $4  }
0x23: {  	[tilespmem:s7+$0x10] =	vst v0  }
0x24: {  	[tilespmem:s7+$0x0] =	vst v0  }
0x25: {  	[tilespmem:s7+$0xFFFFFFF0] =	vst v0  }
0x26: {  	[tilespmem:s7+$0xFFFFFFE0] =	vst v0  }
0x27: {  	s4 =	simm.s32 $0x0;
	s5 =	simm.s32 $0x2000;
	s6 =	simm.s32 $0x4000  }
0x28: {  	[tilespmem:s7+$0xFFFFFFD0] =	vst v0;
	v0 =	vimm.s32 $0x0;
	s7 =	simm.s32 $0x8000;
	s8 =	simm.s32 $0x8800;
	v1 =	vlaneseq.u32;
	v5 =	vimm.s32 $0x0;
	s9 =	simm.s32 $0x0  }
.LBB2_4:
0x29: {  	_ =	sdelay $0x1  }
0x2a: {  	v6 =	vmov s9  }
0x2b: {  	v7 =	vmul.u32 $0x3, v6  }
0x2c: {  	v2 =	vld.idx.msk [tilespmem:v5+s4+$0x0], $0xffff  }
0x2d: {  	v3 =	vld.idx.msk [tilespmem:v5+s5+$0x0], $0xffff;
	v8 =	vadd.s32 $0x1, v7  }
0x2e: {  	v4 =	vld.idx.msk [tilespmem:v5+s6+$0x0], $0xffff;
	v9 =	vadd.s32 $0x2, v7;
	_ =	sdelay $0x1  }
0x2f: {  	[tilespmem:v6+s7+$0x0] =	vst.idx.msk $0x1, v5  }
0x30: {  	[tilespmem:v7+s8+$0x0] =	vst.idx.msk $0x1, v2  }
0x31: {  	[tilespmem:v8+s8+$0x0] =	vst.idx.msk $0x1, v3  }
0x32: {  	s12 =	simm.s32 $0x2040;
	[tilespmem:v9+s8+$0x0] =	vst.idx.msk $0x1, v4  }
0x33: {  	v5 =	vld [tilespmem:s12+$0x30]  }
0x34: {  	s10 =	simm.s32 $0x40;
	v6 =	vld [tilespmem:s12+$0x20]  }
0x35: {  	s11 =	simm.s32 $0x4040;
	v7 =	vld [tilespmem:s10+$0x30]  }
0x36: {  	v8 =	vld [tilespmem:s11+$0x30]  }
0x37: {  	v9 =	vld [tilespmem:s12+$0x10]  }
0x38: {  	v10 =	vld [tilespmem:s10+$0x20]  }
0x39: {  	v11 =	vld [tilespmem:s11+$0x20]  }
0x3a: {  	v12 =	vld [tilespmem:s12+$0x0]  }
0x3b: {  	v13 =	vld [tilespmem:s10+$0x10]  }
0x3c: {  	v14 =	vld [tilespmem:s11+$0x10]  }
0x3d: {  	v15 =	vld [tilespmem:s12+$0xFFFFFFF0]  }
0x3e: {  	v16 =	vld [tilespmem:s10+$0x0]  }
0x3f: {  	v17 =	vld [tilespmem:s11+$0x0];
	v18 =	vsub.f32 v6, v3;
	v19 =	vsub.f32 v5, v3  }
0x40: {  	v20 =	vld [tilespmem:s12+$0xFFFFFFE0];
	v21 =	vsub.f32 v7, v2;
	v23 =	vsub.f32 v9, v3  }
0x41: {  	v22 =	vld [tilespmem:s10+$0xFFFFFFF0];
	v25 =	vsub.f32 v8, v4;
	v26 =	vsub.f32 v10, v2  }
0x42: {  	v24 =	vimm.f32 $-1.000000000e+00;
	s31 =	simm.s32 $0x0;
	v32 =	vld [tilespmem:s10+$0xFFFFFFC0];
	v27 =	vsub.f32 v11, v4;
	v28 =	vsub.f32 v12, v3  }
0x43: {  	s13 =	simm.s32 $0x40;
	v36 =	vor.u32 s31, v1;
	v35 =	vld [tilespmem:s11+$0xFFFFFFC0];
	v13 =	vsub.f32 v13, v2;
	v30 =	vsub.f32 v15, v3  }
0x44: {  	s14 =	simm.s32 $0x30;
	v29 =	vld [tilespmem:s12+$0xFFFFFFC0];
	v5 =	vor.u32 s13, v1;
	v31 =	vsub.f32 v14, v4;
	v33 =	vsub.f32 v16, v2  }
0x45: {  	v8 =	vld [tilespmem:s12+$0xFFFFFFD0];
	v6 =	vor.u32 s14, v1;
	v34 =	vsub.f32 v17, v4;
	v37 =	vsub.f32 v20, v3  }
0x46: {  	v11 =	vld [tilespmem:s10+$0xFFFFFFE0];
	v38 =	vsub.f32 v22, v2;
	v10 =	vmul.f32 v18, v18;
	v12 =	vmul.f32 v25, v25  }
0x47: {  	v22 =	vld [tilespmem:s10+$0xFFFFFFD0];
	v14 =	vmul.f32 v23, v23;
	v15 =	vmul.f32 v26, v26;
	v23 =	vsub.f32 v32, v2  }
0x48: {  	v18 =	vld [tilespmem:s11+$0xFFFFFFD0];
	v17 =	vmul.f32 v28, v28;
	v16 =	vmul.f32 v27, v27;
	v26 =	vsub.f32 v35, v4  }
0x49: {  	s29 =	simm.s32 $0x20;
	v25 =	vsub.f32 v29, v3;
	v29 =	vld [tilespmem:s11+$0xFFFFFFE0];
	v20 =	vmul.f32 v31, v31;
	v63 =	vmul.f32 v38, v38  }
0x4a: {  	v7 =	vor.u32 s29, v1;
	v23 =	vmul.f32 v23, v23;
	v26 =	vmul.f32 v26, v26  }
0x4b: {  	v27 =	vld [tilespmem:s11+$0xFFFFFFF0];
	v25 =	vmul.f32 v25, v25;
	v39 =	vsub.f32 v8, v3;
	v8 =	vmul.f32 v19, v19  }
0x4c: {  	s12 =	simm.s32 $0x6040;
	v40 =	vsub.f32 v11, v2;
	v19 =	vmul.f32 v13, v13;
	v13 =	vsub.f32 v22, v2  }
0x4d: {  	v28 =	vld [tilespmem:s12+$0xFFFFFFC0];
	v11 =	vmul.f32 v21, v21;
	v21 =	vmul.f32 v30, v30;
	v18 =	vsub.f32 v18, v4  }
0x4e: {  	s30 =	simm.s32 $0x10;
	v23 =	vadd.f32 v26, v23;
	v29 =	vsub.f32 v29, v4;
	v26 =	vmul.f32 v13, v13  }
0x4f: {  	v9 =	vor.u32 s30, v1;
	v61 =	vld [tilespmem:s12+$0xFFFFFFD0];
	v31 =	vmul.f32 v40, v40;
	v18 =	vmul.f32 v18, v18  }
0x50: {  	v13 =	vld [tilespmem:s12+$0x30];
	v27 =	vsub.f32 v27, v4;
	v23 =	vadd.f32 v23, v25;
	v29 =	vmul.f32 v29, v29  }
0x51: {  	v30 =	vmul.f32 v37, v37;
	v62 =	vmul.f32 v39, v39;
	v25 =	vld [tilespmem:s12+$0xFFFFFFE0];
	v26 =	vadd.f32 v18, v26  }
0x52: {  	v27 =	vmul.f32 v27, v27;
	v28 =	vmin.f32 v28, v23;
	v23 =	vld [tilespmem:s12+$0x10];
	v31 =	vadd.f32 v29, v31  }
0x53: {  	v22 =	vmul.f32 v33, v33;
	v18 =	vld [tilespmem:s12+$0x20];
	v29 =	vmul.f32 v34, v34;
	v26 =	vadd.f32 v26, v62  }
0x54: {  	vm0 =	vgt.f32 v28, v24;
	v30 =	vadd.f32 v31, v30;
	v31 =	vadd.f32 v27, v63;
	v27 =	vld [tilespmem:s12+$0xFFFFFFF0]  }
0x55: {  	s15 =	simm.s32 $0x20C0;
	s13 =	simm.s32 $0x70;
	s14 =	simm.s32 $0x0;
	[tilespmem:s12+$0xFFFFFFC0] =	vst v28;
	v32 =	vsel vm0, v28, v24;
	v28 =	vsel vm0, v36, v0;
	v24 =	vmin.f32 v61, v26;
	v26 =	vld [tilespmem:s12+$0x0]  }
.LBB2_5:
0x56: {  	v33 =	vld [tilespmem:s15+$0x30];
	[tilespmem:s12+$0xFFFFFFD0] =	vst v24;
	vm0 =	vgt.f32 v24, v32;
	v21 =	vadd.f32 v31, v21;
	v22 =	vadd.f32 v29, v22  }
0x57: {  	s10 =	sadd.s32 $0x80, s10;
	v29 =	vld [tilespmem:s15+$0x20];
	v24 =	vsel vm0, v24, v32;
	v9 =	vsel vm0, v9, v28;
	v25 =	vmin.f32 v25, v30  }
0x58: {  	v19 =	vadd.f32 v20, v19;
	s11 =	sadd.s32 $0x80, s11;
	v28 =	vld [tilespmem:s10+$0x30];
	[tilespmem:s12+$0xFFFFFFE0] =	vst v25;
	vm0 =	vgt.f32 v25, v24;
	v17 =	vadd.f32 v22, v17  }
0x59: {  	v20 =	vld [tilespmem:s11+$0x30];
	v22 =	vsel vm0, v25, v24;
	v7 =	vsel vm0, v7, v9;
	v9 =	vmin.f32 v27, v21  }
0x5a: {  	v15 =	vadd.f32 v16, v15;
	v14 =	vadd.f32 v19, v14;
	v21 =	vld [tilespmem:s15+$0x10];
	[tilespmem:s12+$0xFFFFFFF0] =	vst v9;
	vm0 =	vgt.f32 v9, v22  }
0x5b: {  	v16 =	vld [tilespmem:s10+$0x20];
	v9 =	vsel vm0, v9, v22;
	v6 =	vsel vm0, v6, v7;
	v7 =	vmin.f32 v26, v17  }
0x5c: {  	v11 =	vadd.f32 v12, v11;
	v10 =	vadd.f32 v15, v10;
	v17 =	vld [tilespmem:s11+$0x20];
	[tilespmem:s12+$0x0] =	vst v7;
	vm0 =	vgt.f32 v7, v9  }
0x5d: {  	s16 =	sadd.s32 $0xFFFFFFE0, s13;
	v12 =	vld [tilespmem:s15+$0x0];
	v7 =	vsel vm0, v7, v9;
	v5 =	vsel vm0, v5, v6;
	v6 =	vmin.f32 v23, v14  }
0x5e: {  	v8 =	vadd.f32 v11, v8;
	v14 =	vor.u32 s16, v1;
	v9 =	vld [tilespmem:s10+$0x10];
	[tilespmem:s12+$0x10] =	vst v6;
	vm0 =	vgt.f32 v6, v7  }
0x5f: {  	s16 =	sadd.s32 $0xFFFFFFF0, s13;
	v11 =	vld [tilespmem:s11+$0x10];
	v6 =	vsel vm0, v6, v7;
	v5 =	vsel vm0, v14, v5;
	v7 =	vmin.f32 v18, v10  }
0x60: {  	v15 =	vor.u32 s13, v1;
	v14 =	vor.u32 s16, v1;
	v10 =	vld [tilespmem:s15+$0xFFFFFFF0];
	[tilespmem:s12+$0x20] =	vst v7;
	vm0 =	vgt.f32 v7, v6  }
0x61: {  	v18 =	vld [tilespmem:s10+$0x0];
	v6 =	vsel vm0, v7, v6;
	v5 =	vsel vm0, v14, v5;
	v7 =	vmin.f32 v13, v8  }
0x62: {  	v13 =	vsub.f32 v29, v3;
	v14 =	vsub.f32 v33, v3;
	v8 =	vld [tilespmem:s11+$0x0];
	[tilespmem:s12+$0x30] =	vst v7;
	vm0 =	vgt.f32 v7, v6  }
0x63: {  	v22 =	vsub.f32 v28, v2;
	s13 =	sadd.s32 $0x80, s13;
	v19 =	vld [tilespmem:s15+$0xFFFFFFE0];
	v24 =	vsel vm0, v7, v6;
	v26 =	vsel vm0, v15, v5  }
0x64: {  	v20 =	vsub.f32 v20, v4;
	s16 =	sadd.s32 $0xFFFFFFD0, s13;
	v21 =	vsub.f32 v21, v3;
	v15 =	vld [tilespmem:s10+$0xFFFFFFF0]  }
0x65: {  	s17 =	sadd.s32 $0xFFFFFFC0, s13;
	v16 =	vsub.f32 v16, v2;
	v25 =	vsub.f32 v17, v4;
	v5 =	vor.u32 s16, v1;
	v23 =	vld [tilespmem:s15+$0xFFFFFFD0]  }
0x66: {  	v27 =	vsub.f32 v12, v3;
	s16 =	sadd.s32 $0xFFFFFFB0, s13;
	v6 =	vor.u32 s17, v1;
	v28 =	vsub.f32 v9, v2;
	v17 =	vld [tilespmem:s10+$0xFFFFFFE0]  }
0x67: {  	s17 =	sadd.s32 $0xFFFFFFA0, s13;
	v7 =	vor.u32 s16, v1;
	v31 =	vsub.f32 v11, v4;
	v30 =	vsub.f32 v10, v3;
	v29 =	vld [tilespmem:s15+$0xFFFFFFC0]  }
0x68: {  	s16 =	sadd.s32 $0xFFFFFF90, s13;
	v9 =	vor.u32 s17, v1;
	v18 =	vsub.f32 v18, v2;
	v33 =	vsub.f32 v8, v4;
	v32 =	vld [tilespmem:s10+$0xFFFFFFC0]  }
0x69: {  	s14 =	sadd.s32 $0x8, s14;
	v35 =	vor.u32 s16, v1;
	v36 =	vsub.f32 v19, v3;
	v34 =	vld [tilespmem:s11+$0xFFFFFFC0];
	v37 =	vsub.f32 v15, v2  }
0x6a: {  	p0 =	slt.u32 s14, $0x1F8;
	v10 =	vmul.f32 v13, v13;
	v8 =	vmul.f32 v14, v14;
	v38 =	vld [tilespmem:s10+$0xFFFFFFD0];
	v23 =	vsub.f32 v23, v3  }
0x6b: {  	v12 =	vmul.f32 v20, v20;
	v11 =	vmul.f32 v22, v22;
	v13 =	vld [tilespmem:s11+$0xFFFFFFD0];
	v39 =	vsub.f32 v17, v2  }
0x6c: {  	v14 =	vmul.f32 v21, v21;
	v15 =	vmul.f32 v16, v16;
	v29 =	vsub.f32 v29, v3;
	v40 =	vld [tilespmem:s11+$0xFFFFFFE0]  }
0x6d: {  	v16 =	vmul.f32 v25, v25;
	v17 =	vmul.f32 v27, v27;
	v32 =	vsub.f32 v32, v2  }
0x6e: {  	v20 =	vmul.f32 v31, v31;
	v19 =	vmul.f32 v28, v28;
	v25 =	vsub.f32 v34, v4;
	v27 =	vld [tilespmem:s11+$0xFFFFFFF0]  }
0x6f: {  	v21 =	vmul.f32 v30, v30;
	v22 =	vmul.f32 v18, v18;
	v28 =	vsub.f32 v38, v2  }
0x70: {  	s12 =	sadd.s32 $0x80, s12;
	v18 =	vmul.f32 v32, v32;
	v25 =	vmul.f32 v25, v25;
	v13 =	vsub.f32 v13, v4  }
0x71: {  	v29 =	vmul.f32 v29, v29;
	v32 =	vmul.f32 v36, v36;
	v30 =	vld [tilespmem:s12+$0xFFFFFFC0];
	v31 =	vsub.f32 v40, v4  }
0x72: {  	v18 =	vadd.f32 v25, v18;
	v25 =	vmul.f32 v28, v28;
	v28 =	vmul.f32 v13, v13;
	v13 =	vld [tilespmem:s12+$0x30]  }
0x73: {  	v36 =	vmul.f32 v39, v39;
	v34 =	vld [tilespmem:s12+$0xFFFFFFD0];
	v31 =	vmul.f32 v31, v31;
	v27 =	vsub.f32 v27, v4  }
.Ltmp2:
0x74: {  	v23 =	vmul.f32 v23, v23;
	v29 =	vadd.f32 v18, v29;
	v28 =	vadd.f32 v28, v25;
	v18 =	vld [tilespmem:s12+$0x20];
	(pc) =	sbr.rel @p0 .LBB2_5-.Ltmp2, $4  }
0x75: {  	v31 =	vadd.f32 v31, v36;
	v25 =	vld [tilespmem:s12+$0xFFFFFFE0];
	v36 =	vmul.f32 v37, v37;
	v27 =	vmul.f32 v27, v27  }
0x76: {  	v37 =	vmin.f32 v30, v29;
	v38 =	vadd.f32 v28, v23;
	v29 =	vmul.f32 v33, v33;
	v23 =	vld [tilespmem:s12+$0x10]  }
0x77: {  	[tilespmem:s12+$0xFFFFFFC0] =	vst v37;
	vm0 =	vgt.f32 v37, v24;
	v30 =	vadd.f32 v31, v32;
	v31 =	vadd.f32 v27, v36;
	v27 =	vld [tilespmem:s12+$0xFFFFFFF0]  }
0x78: {  	s15 =	sadd.s32 $0x80, s15;
	v32 =	vsel vm0, v37, v24;
	v28 =	vsel vm0, v35, v26;
	v24 =	vmin.f32 v34, v38;
	v26 =	vld [tilespmem:s12+$0x0]  }
0x79: {  	vm0 =	vgt.f32 v24, v32;
	v2 =	vadd.f32 v29, v22  }
0x7a: {  	v3 =	vadd.f32 v31, v21;
	v4 =	vsel vm0, v24, v32;
	v61 =	vmin.f32 v25, v30  }
0x7b: {  	v62 =	vadd.f32 v20, v19;
	vm1 =	vgt.f32 v61, v4  }
0x7c: {  	v2 =	vadd.f32 v2, v17;
	v4 =	vsel vm1, v61, v4;
	v3 =	vmin.f32 v27, v3  }
0x7d: {  	v15 =	vadd.f32 v16, v15;
	vm2 =	vgt.f32 v3, v4  }
0x7e: {  	v14 =	vadd.f32 v62, v14;
	v2 =	vmin.f32 v26, v2;
	v4 =	vsel vm2, v3, v4  }
0x7f: {  	v11 =	vadd.f32 v12, v11;
	vm3 =	vgt.f32 v2, v4  }
0x80: {  	v10 =	vadd.f32 v15, v10;
	v63 =	vmin.f32 v23, v14;
	v4 =	vsel vm3, v2, v4  }
0x81: {  	vm4 =	vgt.f32 v63, v4  }
0x82: {  	v8 =	vadd.f32 v11, v8;
	v10 =	vmin.f32 v18, v10;
	v4 =	vsel vm4, v63, v4  }
0x83: {  	vm5 =	vgt.f32 v10, v4  }
0x84: {  	v8 =	vmin.f32 v13, v8;
	v4 =	vsel vm5, v10, v4  }
0x85: {  	vm6 =	vgt.f32 v8, v4  }
0x86: {  	v4 =	vsel vm6, v8, v4  }
0x87: {  	(xrf0) =	vmax.scan.msk.f32 $0xffff, v4;
	_ =	sdelay $0x1  }
0x88: {  	v9 =	vsel vm0, v9, v28  }
0x89: {  	v7 =	vsel vm1, v7, v9  }
0x8a: {  	s10 =	sadd.s32 $0xFFFFFFE0, s13;
	v6 =	vsel vm2, v6, v7  }
0x8b: {  	s30 =	sadd.s32 $0xFFFFFFF0, s13;
	v5 =	vsel vm3, v5, v6;
	v6 =	vor.u32 s10, v1  }
0x8c: {  	v5 =	vsel vm4, v6, v5;
	v6 =	vor.u32 s30, v1;
	v7, _, _ =	vpop (xrf0)  }
0x8d: {  	v5 =	vsel vm5, v6, v5;
	v6 =	vor.u32 s13, v1;
	v7 =	vbroadcast v7, $0xF  }
0x8e: {  	v5 =	vsel vm6, v6, v5  }
0x8f: {  	vm15 =	veq.f32 v4, v7;
	v4 =	vxor.u32 $0x80000000, v5  }
0x90: {  	v4 =	vnsel vm15, $0xFFFFFFFF, v4  }
0x91: {  	(xrf0) =	vmin.scan.msk.u32 $0xffff, v4;
	_ =	sdelay $0x5  }
0x92: {  	v4, _, _ =	vpop (xrf0)  }
0x93: {  	(v2sf) =	vpush v4, $0xF;
	_ =	sdelay $0xa  }
0x94: {  	[tilespmem:s12+$0xFFFFFFD0] =	vst v24;
	s9 =	sadd.s32 $0x1, s9  }
0x95: {  	p0 =	sne.s32 s9, $0x800;
	[tilespmem:s12+$0xFFFFFFE0] =	vst v61  }
.Ltmp3:
0x96: {  	[tilespmem:s12+$0xFFFFFFF0] =	vst v3;
	(pc) =	sbr.rel @p0 .LBB2_4-.Ltmp3, $4  }
0x97: {  	[tilespmem:s12+$0x0] =	vst v2  }
0x98: {  	[tilespmem:s12+$0x10] =	vst v63;
	s31 =	spop (v2sf)  }
0x99: {  	[tilespmem:s12+$0x20] =	vst v10;
	s10 =	sxor.u32 $0x80000000, s31  }
0x9a: {  	[tilespmem:s12+$0x30] =	vst v8;
	v5 =	vmov s10  }
0x9b: {  	s4 =	simm.s32 $0x0;
	s5 =	simm.s32 $0x8000;
	s30 =	simm.s32 $0x1  }
0x9c: {  	[hbm4b:s3+s4] =	stream.linear.scatter [tilespmem:s5], [sflag:$0x1], $0x800, $0x38;
	[tilespmem:$0xA000] =	vst v63  }
0x9d: {  	_ =	swait.ge [sflag:s30], $0x800  }
0x9e: {  	[sflag:s30] =	ssyncset.done $0x0  }
0x9f: {  	s31 =	simm.s32 $0x8800;
	[sflag:s30] =	ssyncadd.s32 $0xFFFFF800  }
0xa0: {  	[hbm4b:s2+s4] =	stream.linear.scatter [tilespmem:s31], [sflag:$0x1], $0x1800, $0x38;
	[tilespmem:$0xA000] =	vst v63  }
0xa1: {  	_ =	swait.ge [sflag:s30], $0x1800  }
0xa2: {  	[sflag:s30] =	ssyncset.done $0x0  }
0xa3: {  	[sflag:s30] =	ssyncadd.s32 $0xFFFFE800  }
.LBB2_8:
0xa4: {  	_ =	sfence.sel $0x180000  }
0xa5: {  	[bflag:$0x0] =	sbarrier.arrive $0xFFFF  }
0xa6: {  	p0 =	sne.s32 s1, $0x0;
	_ =	strace $0x90000047  }
0xa7: {  	s0 =	sadd.s32 @!p0 $0x100000, s0;
	[bflag:$0x2] =	sbarrier.arrive $0xFFFF  }
0xa8: {  	[sflag:s0] =	ssyncadd.tile.s32 @!p0 $0x1;
	_ =	shalt  }
.Lfunc_end2:
_tile_overlayer_lowered:
.L_overlay_start_2:
0xa9: {  	(tag) =	ssettag $0x2  }
0xaa: {  	s0 =	rddreg [dreg:$0x0];
	s2 =	stileid.u32  }
0xab: {  	s1 =	rddreg [dreg:$0x1];
	p0 =	sne.s32 s2, $0x0  }
0xac: {  	s3 =	rddreg [dreg:$0x2];
	[bflag:$0x3] =	sbarrier.arrive $0xFFFF;
	s2 =	simm.s32 @!p0 $0x1C01  }
0xad: {  	[timem:s3], [sflag:s2] =	dma.local @!p0 [hbm:s0], s1  }
0xae: {  	s0 =	simm.s32 @!p0 $0x1  }
0xaf: {  	_ =	swait.ge @!p0 [sflag:s0], s1  }
0xb0: {  	s1 =	ssub.s32 @!p0 $0x0, s1;
	[sflag:s0] =	ssyncset.done @!p0 $0x0  }
0xb1: {  	[sflag:s0] =	ssyncadd.s32 @!p0 s1  }
0xb2: {  	[bflag:$0x3] =	sbarrier.arrive $0xFFFF  }
0xb3: {  	_ =	shalt  }

</sc_bundles>
